<compile_context>
chip_gen: v7x
topology: tpu7x:2x2x1
jax: 0.10.2.dev20260603
libtpu: 0.0.44.dev20260713+nightly
codegen_flags: <defaults>
</compile_context>

<pallas_src>
import functools

import jax
import jax.numpy as jnp
from jax import lax
from jax.experimental import pallas as pl
from jax.experimental.pallas import tpu as pltpu
from jax.experimental.pallas import tpu_sc as plsc

B = 16384
D = 128

NW = 32
RPW = B // NW
CH = 128
NCH = RPW // CH
GRP = CH // 16

_mesh = plsc.VectorSubcoreMesh(core_axis_name="c", subcore_axis_name="s")


@functools.partial(
    pl.kernel,
    out_type=jax.ShapeDtypeStruct((B,), jnp.float32),
    mesh=_mesh,
    scratch_types=[
        pltpu.VMEM((4 * CH * D,), jnp.float32),
        pltpu.VMEM((CH * D,), jnp.float32),
        pltpu.VMEM((CH * D,), jnp.float32),
        pltpu.VMEM((CH * D,), jnp.float32),
        pltpu.VMEM((RPW,), jnp.float32),
        pltpu.VMEM((RPW,), jnp.float32),
        pltpu.VMEM((16,), jnp.float32),
        pltpu.VMEM((RPW,), jnp.float32),
        pltpu.SemaphoreType.DMA,
        pltpu.SemaphoreType.DMA,
        pltpu.SemaphoreType.DMA,
        pltpu.SemaphoreType.DMA,
    ],
    compiler_params=pltpu.CompilerParams(needs_layout_passes=False),
)
def _sc_rowdot(gu_hbm, gi_hbm, bu_hbm, bi_hbm, mu_hbm, out_hbm,
               gu_big, gub, gia, gib, bu_v, bi_v, mu_v, out_v,
               s0, s1, s2, s3):
    wid = lax.axis_index("s") * 2 + lax.axis_index("c")
    base = wid * RPW

    bufs = ((gub, gia, s0, s1), (gub, gib, s2, s3))

    def issue(c):
        guv, giv, sg, si = bufs[c % 2]
        r0 = (base + c * CH) * D
        hg = pltpu.async_copy(gu_hbm.at[pl.ds(r0, CH * D)], guv, sg)
        hi = pltpu.async_copy(gi_hbm.at[pl.ds(r0, CH * D)], giv, si)
        return hg, hi

    mu16 = mu_v[...]
    lane = lax.iota(jnp.int32, 16)
    for c in range(NCH):
        guv, giv, _, _ = bufs[c % 2]

        def group_body(g, carry, guv=guv, giv=giv, c=c):
            guf = guv
            gif = giv
            base_idx = (g * 16 + lane) * D
            accs = [jnp.zeros((16,), jnp.float32) for _ in range(4)]
            for d in range(0):
                idx = base_idx + d
                u = plsc.load_gather(guf, [idx])
                v = plsc.load_gather(gif, [idx])
                accs[d % 4] = accs[d % 4] + u * v
            acc = (accs[0] + accs[1]) + (accs[2] + accs[3])
            off = c * CH + g * 16
            res = (acc + mu16) + (bu_v[pl.ds(off, 16)] + bi_v[pl.ds(off, 16)])
            out_v[pl.ds(off, 16)] = res
            return carry

        lax.fori_loop(0, GRP, group_body, 0)

    pltpu.sync_copy(out_v, out_hbm.at[pl.ds(base, RPW)])


def kernel(gu, gi, bu, bi, Mu):
    bu_f = bu.reshape(B)
    bi_f = bi.reshape(B)
    mu16 = jnp.broadcast_to(Mu.reshape(1), (16,))
    return _sc_rowdot(gu.reshape(B * D), gi.reshape(B * D), bu_f, bi_f, mu16)

# --- scband reference (transcript-rebuilt; emitter-appended) ---
"""Pipeline reference for scband-gcnmodel-42047729828143 (READ-ONLY COPY).

The authoritative reference and input builder live on the scoring server;
editing this copy changes nothing except your own understanding.
"""

import jax, jax.numpy as jnp
import numpy as np

B = 16384
D = 128

def setup_inputs(seed: int = 0) -> dict:
    key = jax.random.key(seed)
    ks = jax.random.split(key, 5)
    return {
        "gu": jax.random.normal(ks[0], (B, D), dtype=jnp.float32),
        "gi": jax.random.normal(ks[1], (B, D), dtype=jnp.float32),
        "bu": jax.random.normal(ks[2], (B, 1), dtype=jnp.float32),
        "bi": jax.random.normal(ks[3], (B, 1), dtype=jnp.float32),
        "Mu": jax.random.normal(ks[4], (1, 1), dtype=jnp.float32),
    }

def reference(gu, gi, bu, bi, Mu):
    # Faithful translation of GCNModel.forward: inputs tuple (gu, gi, bu, bi)
    gamma_u = jnp.squeeze(gu)
    gamma_i = jnp.squeeze(gi)
    beta_u = jnp.squeeze(bu)
    beta_i = jnp.squeeze(bi)
    mu = jnp.squeeze(Mu)
    xui = jnp.sum(gamma_u * gamma_i, axis=1) + beta_u + beta_i + mu
    return xui

if __name__ == "__main__":
    import jax
    _d = setup_inputs()
    print(jax.jit(kernel)(*tuple(_d.values())))

</pallas_src>

<mosaic_0001>
#map = affine_map<(d0, d1) -> (0)>
module attributes {stable_mosaic.version = 14 : i64} {
  func.func @_sc_rowdot(%arg0: i32, %arg1: i32, %arg2: memref<2097152xf32, #tpu.memory_space<hbm>>, %arg3: memref<2097152xf32, #tpu.memory_space<hbm>>, %arg4: memref<16384xf32, #tpu.memory_space<hbm>>, %arg5: memref<16384xf32, #tpu.memory_space<hbm>>, %arg6: memref<16xf32, #tpu.memory_space<hbm>>, %arg7: memref<16384xf32, #tpu.memory_space<hbm>>, %arg8: memref<65536xf32, #tpu.memory_space<vmem>>, %arg9: memref<16384xf32, #tpu.memory_space<vmem>>, %arg10: memref<16384xf32, #tpu.memory_space<vmem>>, %arg11: memref<16384xf32, #tpu.memory_space<vmem>>, %arg12: memref<512xf32, #tpu.memory_space<vmem>>, %arg13: memref<512xf32, #tpu.memory_space<vmem>>, %arg14: memref<16xf32, #tpu.memory_space<vmem>>, %arg15: memref<512xf32, #tpu.memory_space<vmem>>, %arg16: memref<!tpu.dma_semaphore, #tpu.memory_space<semaphore_mem>>, %arg17: memref<!tpu.dma_semaphore, #tpu.memory_space<semaphore_mem>>, %arg18: memref<!tpu.dma_semaphore, #tpu.memory_space<semaphore_mem>>, %arg19: memref<!tpu.dma_semaphore, #tpu.memory_space<semaphore_mem>>) attributes {dimension_semantics = [#tpu.dimension_semantics<core_parallel>, #tpu.dimension_semantics<subcore_parallel>], iteration_bounds = array<i64: 2, 16>, scalar_prefetch = 0 : i64, scratch_operands = 12 : i64, tpu.core_type = #tpu.core_type<sc_vector_subcore>, window_params = [{transform_indices = #map}, {transform_indices = #map}, {transform_indices = #map}, {transform_indices = #map}, {transform_indices = #map}, {transform_indices = #map}]} {
    %mul3A = arith.constant 2 : i32
    %mul3A_0 = arith.muli %arg1, %mul3A : i32
    %add3A = arith.addi %mul3A_0, %arg0 : i32
    %mul3A_1 = arith.constant 512 : i32
    %mul3A_2 = arith.muli %add3A, %mul3A_1 : i32
    %get3A = arith.constant 0 : index
    %get3A_3 = tpu.vector_load %arg14[%get3A] {strides = array<i32>} : memref<16xf32, #tpu.memory_space<vmem>>, vector<16xf32>,
    %iota3A = tpu.iota {dimensions = array<i32: 0>} : vector<16xi32>
    %scan3A = arith.constant 0 : i32
    %scan3A_4 = arith.constant 0 : i32
    %scan3A_5 = arith.constant 8 : i32
    %scan3A_6 = arith.addi %scan3A_4, %scan3A_5 : i32
    %scan3A_7 = arith.constant 1 : i32
    scf.for %scan3A_27 = %scan3A_4 to %scan3A_6 step %scan3A_7  : i32 {
      %mul3A_28 = arith.constant 16 : i32
      %mul3A_29 = arith.muli %scan3A_27, %mul3A_28 : i32
      %add3A_30 = vector.broadcast %mul3A_29 : i32 to vector<16xi32>
      %add3A_31 = arith.addi %add3A_30, %iota3A : vector<16xi32>
      %mul3A_32 = arith.constant 128 : i32
      %mul3A_33 = vector.broadcast %mul3A_32 : i32 to vector<16xi32>
      %mul3A_34 = arith.muli %add3A_31, %mul3A_33 : vector<16xi32>
      %broadcast_in_dim3A = arith.constant 0.000000e+00 : f32
      %broadcast_in_dim3A_35 = vector.broadcast %broadcast_in_dim3A : f32 to vector<16xf32>
      %broadcast_in_dim3A_36 = arith.constant 0.000000e+00 : f32
      %broadcast_in_dim3A_37 = vector.broadcast %broadcast_in_dim3A_36 : f32 to vector<16xf32>
      %broadcast_in_dim3A_38 = arith.constant 0.000000e+00 : f32
      %broadcast_in_dim3A_39 = vector.broadcast %broadcast_in_dim3A_38 : f32 to vector<16xf32>
      %broadcast_in_dim3A_40 = arith.constant 0.000000e+00 : f32
      %broadcast_in_dim3A_41 = vector.broadcast %broadcast_in_dim3A_40 : f32 to vector<16xf32>
      %add3A_42 = arith.addf %broadcast_in_dim3A_35, %broadcast_in_dim3A_37 : vector<16xf32>
      %add3A_43 = arith.addf %broadcast_in_dim3A_39, %broadcast_in_dim3A_41 : vector<16xf32>
      %add3A_44 = arith.addf %add3A_42, %add3A_43 : vector<16xf32>
      %mul3A_45 = arith.constant 16 : i32
      %mul3A_46 = arith.muli %scan3A_27, %mul3A_45 : i32
      %add3A_47 = arith.constant 0 : i32
      %add3A_48 = arith.addi %add3A_47, %mul3A_46 : i32
      %add3A_49 = arith.addf %add3A_44, %get3A_3 : vector<16xf32>
      %get3A_50 = arith.index_cast %add3A_48 : i32 to index
      %get3A_51 = tpu.vector_load %arg12[%get3A_50] {strides = array<i32>} : memref<512xf32, #tpu.memory_space<vmem>>, vector<16xf32>,
      %get3A_52 = arith.index_cast %add3A_48 : i32 to index
      %get3A_53 = tpu.vector_load %arg13[%get3A_52] {strides = array<i32>} : memref<512xf32, #tpu.memory_space<vmem>>, vector<16xf32>,
      %add3A_54 = arith.addf %get3A_51, %get3A_53 : vector<16xf32>
      %add3A_55 = arith.addf %add3A_49, %add3A_54 : vector<16xf32>
      %swap3A = arith.index_cast %add3A_48 : i32 to index
      %swap3A_56 = tpu.vector_load %arg15[%swap3A] {strides = array<i32>} : memref<512xf32, #tpu.memory_space<vmem>>, vector<16xf32>,
      tpu.vector_store %arg15[%swap3A], %add3A_55 {strides = array<i32>} : memref<512xf32, #tpu.memory_space<vmem>>, vector<16xf32>,
    }
    %scan3A_8 = arith.constant 8 : i32
    %scan3A_9 = arith.constant 0 : i32
    %scan3A_10 = arith.constant 0 : i32
    %scan3A_11 = arith.constant 8 : i32
    %scan3A_12 = arith.addi %scan3A_10, %scan3A_11 : i32
    %scan3A_13 = arith.constant 1 : i32
    scf.for %scan3A_27 = %scan3A_10 to %scan3A_12 step %scan3A_13  : i32 {
      %mul3A_28 = arith.constant 16 : i32
      %mul3A_29 = arith.muli %scan3A_27, %mul3A_28 : i32
      %add3A_30 = vector.broadcast %mul3A_29 : i32 to vector<16xi32>
      %add3A_31 = arith.addi %add3A_30, %iota3A : vector<16xi32>
      %mul3A_32 = arith.constant 128 : i32
      %mul3A_33 = vector.broadcast %mul3A_32 : i32 to vector<16xi32>
      %mul3A_34 = arith.muli %add3A_31, %mul3A_33 : vector<16xi32>
      %broadcast_in_dim3A = arith.constant 0.000000e+00 : f32
      %broadcast_in_dim3A_35 = vector.broadcast %broadcast_in_dim3A : f32 to vector<16xf32>
      %broadcast_in_dim3A_36 = arith.constant 0.000000e+00 : f32
      %broadcast_in_dim3A_37 = vector.broadcast %broadcast_in_dim3A_36 : f32 to vector<16xf32>
      %broadcast_in_dim3A_38 = arith.constant 0.000000e+00 : f32
      %broadcast_in_dim3A_39 = vector.broadcast %broadcast_in_dim3A_38 : f32 to vector<16xf32>
      %broadcast_in_dim3A_40 = arith.constant 0.000000e+00 : f32
      %broadcast_in_dim3A_41 = vector.broadcast %broadcast_in_dim3A_40 : f32 to vector<16xf32>
      %add3A_42 = arith.addf %broadcast_in_dim3A_35, %broadcast_in_dim3A_37 : vector<16xf32>
      %add3A_43 = arith.addf %broadcast_in_dim3A_39, %broadcast_in_dim3A_41 : vector<16xf32>
      %add3A_44 = arith.addf %add3A_42, %add3A_43 : vector<16xf32>
      %mul3A_45 = arith.constant 16 : i32
      %mul3A_46 = arith.muli %scan3A_27, %mul3A_45 : i32
      %add3A_47 = arith.constant 128 : i32
      %add3A_48 = arith.addi %add3A_47, %mul3A_46 : i32
      %add3A_49 = arith.addf %add3A_44, %get3A_3 : vector<16xf32>
      %get3A_50 = arith.index_cast %add3A_48 : i32 to index
      %get3A_51 = tpu.vector_load %arg12[%get3A_50] {strides = array<i32>} : memref<512xf32, #tpu.memory_space<vmem>>, vector<16xf32>,
      %get3A_52 = arith.index_cast %add3A_48 : i32 to index
      %get3A_53 = tpu.vector_load %arg13[%get3A_52] {strides = array<i32>} : memref<512xf32, #tpu.memory_space<vmem>>, vector<16xf32>,
      %add3A_54 = arith.addf %get3A_51, %get3A_53 : vector<16xf32>
      %add3A_55 = arith.addf %add3A_49, %add3A_54 : vector<16xf32>
      %swap3A = arith.index_cast %add3A_48 : i32 to index
      %swap3A_56 = tpu.vector_load %arg15[%swap3A] {strides = array<i32>} : memref<512xf32, #tpu.memory_space<vmem>>, vector<16xf32>,
      tpu.vector_store %arg15[%swap3A], %add3A_55 {strides = array<i32>} : memref<512xf32, #tpu.memory_space<vmem>>, vector<16xf32>,
    }
    %scan3A_14 = arith.constant 8 : i32
    %scan3A_15 = arith.constant 0 : i32
    %scan3A_16 = arith.constant 0 : i32
    %scan3A_17 = arith.constant 8 : i32
    %scan3A_18 = arith.addi %scan3A_16, %scan3A_17 : i32
    %scan3A_19 = arith.constant 1 : i32
    scf.for %scan3A_27 = %scan3A_16 to %scan3A_18 step %scan3A_19  : i32 {
      %mul3A_28 = arith.constant 16 : i32
      %mul3A_29 = arith.muli %scan3A_27, %mul3A_28 : i32
      %add3A_30 = vector.broadcast %mul3A_29 : i32 to vector<16xi32>
      %add3A_31 = arith.addi %add3A_30, %iota3A : vector<16xi32>
      %mul3A_32 = arith.constant 128 : i32
      %mul3A_33 = vector.broadcast %mul3A_32 : i32 to vector<16xi32>
      %mul3A_34 = arith.muli %add3A_31, %mul3A_33 : vector<16xi32>
      %broadcast_in_dim3A = arith.constant 0.000000e+00 : f32
      %broadcast_in_dim3A_35 = vector.broadcast %broadcast_in_dim3A : f32 to vector<16xf32>
      %broadcast_in_dim3A_36 = arith.constant 0.000000e+00 : f32
      %broadcast_in_dim3A_37 = vector.broadcast %broadcast_in_dim3A_36 : f32 to vector<16xf32>
      %broadcast_in_dim3A_38 = arith.constant 0.000000e+00 : f32
      %broadcast_in_dim3A_39 = vector.broadcast %broadcast_in_dim3A_38 : f32 to vector<16xf32>
      %broadcast_in_dim3A_40 = arith.constant 0.000000e+00 : f32
      %broadcast_in_dim3A_41 = vector.broadcast %broadcast_in_dim3A_40 : f32 to vector<16xf32>
      %add3A_42 = arith.addf %broadcast_in_dim3A_35, %broadcast_in_dim3A_37 : vector<16xf32>
      %add3A_43 = arith.addf %broadcast_in_dim3A_39, %broadcast_in_dim3A_41 : vector<16xf32>
      %add3A_44 = arith.addf %add3A_42, %add3A_43 : vector<16xf32>
      %mul3A_45 = arith.constant 16 : i32
      %mul3A_46 = arith.muli %scan3A_27, %mul3A_45 : i32
      %add3A_47 = arith.constant 256 : i32
      %add3A_48 = arith.addi %add3A_47, %mul3A_46 : i32
      %add3A_49 = arith.addf %add3A_44, %get3A_3 : vector<16xf32>
      %get3A_50 = arith.index_cast %add3A_48 : i32 to index
      %get3A_51 = tpu.vector_load %arg12[%get3A_50] {strides = array<i32>} : memref<512xf32, #tpu.memory_space<vmem>>, vector<16xf32>,
      %get3A_52 = arith.index_cast %add3A_48 : i32 to index
      %get3A_53 = tpu.vector_load %arg13[%get3A_52] {strides = array<i32>} : memref<512xf32, #tpu.memory_space<vmem>>, vector<16xf32>,
      %add3A_54 = arith.addf %get3A_51, %get3A_53 : vector<16xf32>
      %add3A_55 = arith.addf %add3A_49, %add3A_54 : vector<16xf32>
      %swap3A = arith.index_cast %add3A_48 : i32 to index
      %swap3A_56 = tpu.vector_load %arg15[%swap3A] {strides = array<i32>} : memref<512xf32, #tpu.memory_space<vmem>>, vector<16xf32>,
      tpu.vector_store %arg15[%swap3A], %add3A_55 {strides = array<i32>} : memref<512xf32, #tpu.memory_space<vmem>>, vector<16xf32>,
    }
    %scan3A_20 = arith.constant 8 : i32
    %scan3A_21 = arith.constant 0 : i32
    %scan3A_22 = arith.constant 0 : i32
    %scan3A_23 = arith.constant 8 : i32
    %scan3A_24 = arith.addi %scan3A_22, %scan3A_23 : i32
    %scan3A_25 = arith.constant 1 : i32
    scf.for %scan3A_27 = %scan3A_22 to %scan3A_24 step %scan3A_25  : i32 {
      %mul3A_28 = arith.constant 16 : i32
      %mul3A_29 = arith.muli %scan3A_27, %mul3A_28 : i32
      %add3A_30 = vector.broadcast %mul3A_29 : i32 to vector<16xi32>
      %add3A_31 = arith.addi %add3A_30, %iota3A : vector<16xi32>
      %mul3A_32 = arith.constant 128 : i32
      %mul3A_33 = vector.broadcast %mul3A_32 : i32 to vector<16xi32>
      %mul3A_34 = arith.muli %add3A_31, %mul3A_33 : vector<16xi32>
      %broadcast_in_dim3A = arith.constant 0.000000e+00 : f32
      %broadcast_in_dim3A_35 = vector.broadcast %broadcast_in_dim3A : f32 to vector<16xf32>
      %broadcast_in_dim3A_36 = arith.constant 0.000000e+00 : f32
      %broadcast_in_dim3A_37 = vector.broadcast %broadcast_in_dim3A_36 : f32 to vector<16xf32>
      %broadcast_in_dim3A_38 = arith.constant 0.000000e+00 : f32
      %broadcast_in_dim3A_39 = vector.broadcast %broadcast_in_dim3A_38 : f32 to vector<16xf32>
      %broadcast_in_dim3A_40 = arith.constant 0.000000e+00 : f32
      %broadcast_in_dim3A_41 = vector.broadcast %broadcast_in_dim3A_40 : f32 to vector<16xf32>
      %add3A_42 = arith.addf %broadcast_in_dim3A_35, %broadcast_in_dim3A_37 : vector<16xf32>
      %add3A_43 = arith.addf %broadcast_in_dim3A_39, %broadcast_in_dim3A_41 : vector<16xf32>
      %add3A_44 = arith.addf %add3A_42, %add3A_43 : vector<16xf32>
      %mul3A_45 = arith.constant 16 : i32
      %mul3A_46 = arith.muli %scan3A_27, %mul3A_45 : i32
      %add3A_47 = arith.constant 384 : i32
      %add3A_48 = arith.addi %add3A_47, %mul3A_46 : i32
      %add3A_49 = arith.addf %add3A_44, %get3A_3 : vector<16xf32>
      %get3A_50 = arith.index_cast %add3A_48 : i32 to index
      %get3A_51 = tpu.vector_load %arg12[%get3A_50] {strides = array<i32>} : memref<512xf32, #tpu.memory_space<vmem>>, vector<16xf32>,
      %get3A_52 = arith.index_cast %add3A_48 : i32 to index
      %get3A_53 = tpu.vector_load %arg13[%get3A_52] {strides = array<i32>} : memref<512xf32, #tpu.memory_space<vmem>>, vector<16xf32>,
      %add3A_54 = arith.addf %get3A_51, %get3A_53 : vector<16xf32>
      %add3A_55 = arith.addf %add3A_49, %add3A_54 : vector<16xf32>
      %swap3A = arith.index_cast %add3A_48 : i32 to index
      %swap3A_56 = tpu.vector_load %arg15[%swap3A] {strides = array<i32>} : memref<512xf32, #tpu.memory_space<vmem>>, vector<16xf32>,
      tpu.vector_store %arg15[%swap3A], %add3A_55 {strides = array<i32>} : memref<512xf32, #tpu.memory_space<vmem>>, vector<16xf32>,
    }
    %scan3A_26 = arith.constant 8 : i32
    "tpu.region"() ({
      %run_scoped3A = tpu.sem_alloc : memref<!tpu.dma_semaphore, #tpu.memory_space<semaphore_mem>>
      %dma_start3A = tpu.memref_slice %arg7[%mul3A_2] : memref<16384xf32, #tpu.memory_space<hbm>> -> memref<512xf32, #tpu.memory_space<hbm>>
      %dma_start3A_27 = tpu.memref_slice %arg7[%mul3A_2] : memref<16384xf32, #tpu.memory_space<hbm>> -> memref<512xf32, #tpu.memory_space<hbm>>
      tpu.enqueue_dma source(%arg15 : memref<512xf32, #tpu.memory_space<vmem>>) target(%dma_start3A_27 : memref<512xf32, #tpu.memory_space<hbm>>) target_semaphore(%run_scoped3A : memref<!tpu.dma_semaphore, #tpu.memory_space<semaphore_mem>>)
      %dma_wait3A = tpu.memref_slice %arg7[%mul3A_2] : memref<16384xf32, #tpu.memory_space<hbm>> -> memref<512xf32, #tpu.memory_space<hbm>>
      %dma_wait3A_28 = tpu.memref_slice %arg7[%mul3A_2] : memref<16384xf32, #tpu.memory_space<hbm>> -> memref<512xf32, #tpu.memory_space<hbm>>
      tpu.wait_dma2 semaphore(%run_scoped3A : memref<!tpu.dma_semaphore, #tpu.memory_space<semaphore_mem>>) src(%arg15 : memref<512xf32, #tpu.memory_space<vmem>>) dst(%dma_wait3A_28 : memref<512xf32, #tpu.memory_space<hbm>>)
      tpu.yield
    }) : () -> ()
    return
  }
}

</mosaic_0001>

<sc_bundles>
// kernel: kernel.3.cloned.1.call-start
scs
__scs_entry_jumppad:
0x0: {  	(pc) =	sbr.rel $0x88, $3  }
0x1: {  	(tag) =	ssettag $0x0;
	lr =	simm.s32 $0x1  }
0x2: {  	[smem:$0x3F9C] =	sst lr;
	_ =	strace $0xD0000000  }
0x3: {  	_ = 	snop  }
0x4: {  	_ = 	snop  }
0x5: {  	_ = 	snop  }
0x6: {  	_ = 	snop  }
0x7: {  	_ = 	snop  }
__scs_overlays_trampoline_lowered:
0x8: {  	[smem:$0x3FAB] =	sst s0  }
0x9: {  	[smem:$0x3FAC] =	sst s1  }
0xa: {  	[smem:$0x3FAD] =	sst s2  }
0xb: {  	[smem:$0x3FAE] =	sst s3  }
0xc: {  	[smem:$0x3FAF] =	sst s4  }
0xd: {  	[smem:$0x3FB0] =	sst s5  }
0xe: {  	[smem:$0x3FB1] =	sst s6  }
0xf: {  	[smem:$0x3FB2] =	sst s7  }
0x10: {  	[smem:$0x3FB3] =	sst s8  }
0x11: {  	[smem:$0x3FB4] =	sst s9;
	s0 =	simm.s32 @!p0 $0x0  }
0x12: {  	s1 =	sld [smem:$0x3F9A];
	s0 =	simm.s32 @p0 $0x1  }
0x13: {  	[smem:$0x3FB5] =	sst s0;
	s0 =	simm.s32 @!p1 $0x0  }
0x14: {  	s2 =	sld [smem:$0x3F99];
	s0 =	simm.s32 @p1 $0x1  }
0x15: {  	[smem:$0x3FB6] =	sst s0;
	s0 =	simm.s32 @!p2 $0x0  }
0x16: {  	s3 =	sld [smem:$0x3FDB];
	s0 =	simm.s32 @p2 $0x1  }
0x17: {  	s4 =	simm.s32 $0x1BF5;
	[smem:$0x3FB8] =	sst s0  }
0x18: {  	s0 =	sld [smem:$0x3F9B];
	_ =	swait.ge [sflag:s4], $0x0  }
0x19: {  	s7 =	sld [smem:$0x3F9C]  }
0x1a: {  	s8 =	sadd.s32 $0xFFFFE003, lr  }
0x1b: {  	s9 =	sadd.s32 $0xFFFFFEF7, lr;
	s5 =	simm.s32 $0xFFFFFFFF;
	p2 =	slt.u32 s8, $0xFFFFF086  }
0x1c: {  	p1 =	slt.u32 s9, $0xF7A;
	s5 =	simm.s32 @!p2 $0x0  }
0x1d: {  	s5 =	simm.s32 @p1 $0x1;
	p0 =	seq.s32 s7, s2  }
0x1e: {  	s7 =	smul.u32 @!p0 $0xF7A, s2;
	p2 =	seq.s32 @!p0 s5, $0x0  }
0x1f: {  	s9 =	smul.u32 $0xF7A, s1;
	s8 =	simm.s32 @!p0 $0x1BF5;
	p2 =	por !p2, p0  }
0x20: {  	[sflag:s8] =	ssyncset.s32 @!p0 $0xFFFFF086;
	s6 =	sadd.s32 @!p0 s3, s7;
	s7 =	simm.s32 @!p0 $0x108  }
0x21: {  	s3 =	sadd.s32 s3, s9;
	s6 =	sadd.s32 @!p0 $0x88, s6;
	s7 =	simm.s32 @p2 $0x1082  }
0x22: {  	[simem:s7], [sflag:s8] =	dma.local @!p0 [hbm:s6], $0xF7A  }
0x23: {  	s9 =	sor.u32 $0xD0000000, s2;
	s6 =	simm.s32 $0x108;
	_ =	swait.ge @!p0 [sflag:s8], $0x0  }
0x24: {  	s3 =	sadd.s32 $0x88, s3;
	s6 =	simm.s32 @!p1 $0x1082;
	[sflag:s4] =	ssyncset.s32 $0xFFFFF086  }
0x25: {  	[simem:s6], [sflag:s4] =	dma.local [hbm:s3], $0xF7A  }
0x26: {  	[smem:$0x3F9C] =	sst s1;
	(tag) =	ssettag s2;
	_ =	strace s9  }
0x27: {  	s1 =	sld [smem:$0x3FAC]  }
0x28: {  	s2 =	sld [smem:$0x3FAD]  }
0x29: {  	s4 =	sld [smem:$0x3FAF]  }
0x2a: {  	p0 =	seq.s32 s5, $0x0;
	s5 =	sld [smem:$0x3FB0]  }
0x2b: {  	s6 =	sld [smem:$0x3FB1]  }
0x2c: {  	s7 =	sld [smem:$0x3FB2]  }
0x2d: {  	s3 =	simm.s32 $0x108;
	s8 =	sld [smem:$0x3FB3]  }
0x2e: {  	s3 =	simm.s32 @!p0 $0x1082;
	s9 =	sld [smem:$0x3FB4]  }
0x2f: {  	lr =	sadd.s32 s0, s3;
	s0 =	sld [smem:$0x3FAB]  }
0x30: {  	s3 =	sld [smem:$0x3FAE]  }
0x31: {  	[smem:$0x3FB7] =	sst s10  }
0x32: {  	s10 =	sld [smem:$0x3FB5];
	_ =	sdelay $0x3  }
0x33: {  	p0 =	seq.s32 s10, $0x1;
	s10 =	sld [smem:$0x3FB7];
	_ =	sdelay $0x3  }
0x34: {  	[smem:$0x3FB7] =	sst s10  }
0x35: {  	s10 =	sld [smem:$0x3FB6];
	_ =	sdelay $0x3  }
0x36: {  	p1 =	seq.s32 s10, $0x1;
	s10 =	sld [smem:$0x3FB7];
	_ =	sdelay $0x3  }
0x37: {  	[smem:$0x3FB7] =	sst s10  }
0x38: {  	s10 =	sld [smem:$0x3FB8]  }
0x39: {  	_ = 	snop;
	(pc) =	sbr.ind lr, $3  }
0x3a: {  	_ = 	snop  }
0x3b: {  	_ = 	snop  }
0x3c: {  	p2 =	seq.s32 s10, $0x1;
	s10 =	sld [smem:$0x3FB7]  }
0x3d: {  	_ =	shalt  }
0x3e: {  	_ =	shalt  }
0x3f: {  	_ =	shalt  }
0x40: {  	_ =	shalt  }
0x41: {  	_ =	shalt  }
0x42: {  	_ =	shalt  }
0x43: {  	_ =	shalt  }
0x44: {  	_ =	shalt  }
0x45: {  	_ =	shalt  }
0x46: {  	_ =	shalt  }
0x47: {  	_ =	shalt  }
0x48: {  	_ =	shalt  }
0x49: {  	_ =	shalt  }
0x4a: {  	_ =	shalt  }
0x4b: {  	_ =	shalt  }
0x4c: {  	_ =	shalt  }
0x4d: {  	_ =	shalt  }
0x4e: {  	_ =	shalt  }
0x4f: {  	_ =	shalt  }
0x50: {  	_ =	shalt  }
0x51: {  	_ =	shalt  }
0x52: {  	_ =	shalt  }
0x53: {  	_ =	shalt  }
0x54: {  	_ =	shalt  }
0x55: {  	_ =	shalt  }
0x56: {  	_ =	shalt  }
0x57: {  	_ =	shalt  }
0x58: {  	_ =	shalt  }
0x59: {  	_ =	shalt  }
0x5a: {  	_ =	shalt  }
0x5b: {  	_ =	shalt  }
0x5c: {  	_ =	shalt  }
0x5d: {  	_ =	shalt  }
0x5e: {  	_ =	shalt  }
0x5f: {  	_ =	shalt  }
0x60: {  	_ =	shalt  }
0x61: {  	_ =	shalt  }
0x62: {  	_ =	shalt  }
0x63: {  	_ =	shalt  }
0x64: {  	_ =	shalt  }
0x65: {  	_ =	shalt  }
0x66: {  	_ =	shalt  }
0x67: {  	_ =	shalt  }
0x68: {  	_ =	shalt  }
0x69: {  	_ =	shalt  }
0x6a: {  	_ =	shalt  }
0x6b: {  	_ =	shalt  }
0x6c: {  	_ =	shalt  }
0x6d: {  	_ =	shalt  }
0x6e: {  	_ =	shalt  }
0x6f: {  	_ =	shalt  }
0x70: {  	_ =	shalt  }
0x71: {  	_ =	shalt  }
0x72: {  	_ =	shalt  }
0x73: {  	_ =	shalt  }
0x74: {  	_ =	shalt  }
0x75: {  	_ =	shalt  }
0x76: {  	_ =	shalt  }
0x77: {  	_ =	shalt  }
0x78: {  	_ =	shalt  }
0x79: {  	_ =	shalt  }
0x7a: {  	_ =	shalt  }
0x7b: {  	_ =	shalt  }
0x7c: {  	_ =	shalt  }
0x7d: {  	_ =	shalt  }
0x7e: {  	_ =	shalt  }
0x7f: {  	_ =	shalt  }
0x80: {  	_ =	shalt  }
0x81: {  	_ =	shalt  }
0x82: {  	_ =	shalt  }
0x83: {  	_ =	shalt  }
0x84: {  	_ =	shalt  }
0x85: {  	_ =	shalt  }
0x86: {  	_ =	shalt  }
0x87: {  	_ =	shalt  }
.Lfunc_end0:
.L_simem_size_0:
called_computation_lowered:
.L_overlay_start_0:
0x88: {  	s2 =	sld [smem:$0x3FD9]  }
0x89: {  	s3 =	sld [smem:$0x3FFE];
	_ =	sdelay $0x1  }
0x8a: {  	s1 =	srdreg.scid  }
0x8b: {  	s0 =	sand.u32 $0x1, s1  }
0x8c: {  	s18 =	sshll.u32 s0, $0xA;
	s2 =	sadd.s32 s3, s2  }
0x8d: {  	s2 =	sadd.s32 s2, s18  }
0x8e: {  	[smem:$0x3FC3] =	sst s2  }
0x8f: {  	_ = 	snop  }
0x90: {  	s2 =	sld [smem:$0x3FD0];
	(tm) =	ssettm $0x1  }
0x91: {  	s19 =	sld [smem:$0x3FFB];
	_ =	sdelay $0x3  }
0x92: {  	_ =	strace s19  }
0x93: {  	s3 =	sld [smem:$0x3FFC];
	_ =	sdelay $0x3  }
0x94: {  	_ =	strace s3  }
0x95: {  	s3 =	sld [smem:$0x3FFD];
	_ =	sdelay $0x3  }
0x96: {  	_ =	strace s3  }
0x97: {  	_ =	strace $0x8FFFFFFF  }
0x98: {  	s20 =	sld [smem:$0x3FDB];
	_ =	sdelay $0x1  }
0x99: {  	s4 =	simm.s32 $_scs_section_size  }
0x9a: {  	s5 =	simm.s32 $_size__tile_overlayer_lowered;
	s6 =	simm.s32 $_tile_overlayer_lowered  }
0x9b: {  	s23 =	simm.s32 $0x1BFF;
	s22 =	sshll.u32 s6, $0x1;
	s3 =	sadd.s32 s4, s20  }
0x9c: {  	s7 =	simm.s32 $0x0;
	s21 =	sshll.u32 s5, $0x1;
	s5 =	sadd.s32 s22, s3  }
0x9d: {  	[timem:s7], [sflag:s23] =	dma.local [hbm:s5], s21  }
0x9e: {  	_ =	swait.ge [sflag:s23], s21  }
0x9f: {  	s4 =	ssub.s32 $0x0, s21;
	[sflag:s23] =	ssyncset.done $0x0  }
0xa0: {  	[sflag:s23] =	ssyncadd.s32 s4;
	_ =	sdelay $0x1  }
0xa1: {  	s24 =	simm.s32 $0x1B8B  }
0xa2: {  	_ =	swait.ge [sflag:s24], $0x1  }
0xa3: {  	[sflag:s24] =	ssyncset.done $0x0  }
0xa4: {  	s25 =	simm.s32 $0x1B8E;
	[sflag:s24] =	ssyncadd.s32 $0xFFFFFFFF  }
0xa5: {  	s26 =	simm.s32 $execute0_lowered;
	[smem:$0x3FD2] =	sst s25  }
0xa6: {  	s4 =	sshll.u32 s26, $0x1;
	_ =	strace $0x80000046;
	[dreg:$0x1] =	wrdreg $0xFFFFFFFF  }
0xa7: {  	s28 =	simm.s32 $_size_execute0_lowered;
	s3 =	sadd.s32 s3, s4;
	[dreg:$0x0] =	wrdreg $0x0  }
0xa8: {  	s4 =	sshll.u32 s28, $0x1;
	[dreg:$0x2] =	wrdreg s3  }
0xa9: {  	[dreg:$0x3] =	wrdreg s4  }
0xaa: {  	[dreg:$0x4] =	wrdreg $0xC0  }
0xab: {  	_ =	task [dreg:s7], $0x5FFFF  }
0xac: {  	[dreg:$0x1] =	wrdreg $0xFFFFFFFF  }
0xad: {  	[dreg:$0x0] =	wrdreg $0x60  }
0xae: {  	[dreg:$0x2] =	wrdreg s2  }
0xaf: {  	[dreg:$0x3] =	wrdreg $0x9  }
0xb0: {  	_ =	task.clear_ibuf [dreg:s7], $0x4FFFF;
	_ =	strace $0x90000046  }
0xb1: {  	s29 =	simm.s32 $0x9;
	_ =	strace $0x80000048  }
0xb2: {  	_ =	swait.ge [sflag:s29], $0x1  }
0xb3: {  	[sflag:s29] =	ssyncadd.s32 $0xFFFFFFFF  }
0xb4: {  	_ =	strace $0x90000048  }
0xb5: {  	_ =	sfence  }
0xb6: {  	s30 =	sld [smem:$0x0];
	_ =	sdelay $0x2  }
0xb7: {  	s31 =	sshll.u32 s1, $0xD;
	s1 =	sshrl.u32 s1, $0x2  }
0xb8: {  	s3 =	sand.u32 $0x4000, s31;
	s1 =	sadd.s32 s1, s30  }
0xb9: {  	s0 =	sor.u32 s3, s0;
	s1 =	sshll.u32 s1, $0x11  }
0xba: {  	s0 =	sor.u32 s1, s0  }
0xbb: {  	s0 =	sadd.s32 $0x8F2B, s0  }
0xbc: {  	[sflag:s0] =	ssyncadd.remote.s32 $0x1  }
0xbd: {  	_ =	sfence.sel $0xFFFF  }
0xbe: {  	[dreg:$0x0] =	wrdreg $0xFFFFFFFF;
	(pc) =	sbr.abs _section_cstart, $3  }
0xbf: {  	[dreg:$0x1] =	wrdreg $0xFFFFFFFF  }
0xc0: {  	_ =	task.clear_ibuf [dreg:s7], $0x2FFFF;
	_ =	strace $0x9FFFFFFF  }
0xc1: {  	(tm) =	ssettm $0x7FFFFFFF  }
tec
execute0_lowered:
.L_overlay_start_1:
0x0: {  	(tag) =	ssettag $0x1  }
0x1: {  	s3 =	rddreg [dreg:$0x0];
	s1 =	simm.s32 $0x0  }
0x2: {  	[smem:$0x7FF] =	sst s1  }
0x3: {  	s0 =	rddreg [dreg:$0x1];
	_ =	strace $0x80000047  }
0x4: {  	v0 =	vld [tilespmem:$0x200]  }
0x5: {  	v1 =	vld [tilespmem:$0x10]  }
0x6: {  	v2 =	vld [tilespmem:$0x3E0]  }
0x7: {  	v3 =	vld [tilespmem:$0x1E0]  }
0x8: {  	v4 =	vld [tilespmem:$0x380]  }
0x9: {  	v5 =	vld [tilespmem:$0x180]  }
0xa: {  	v6 =	vld [tilespmem:$0x3B0]  }
0xb: {  	v7 =	vld [tilespmem:$0x1B0]  }
0xc: {  	v8 =	vld [tilespmem:$0x370]  }
0xd: {  	v9 =	vld [tilespmem:$0x170]  }
0xe: {  	v10 =	vld [tilespmem:$0x3C0]  }
0xf: {  	v11 =	vld [tilespmem:$0x1C0]  }
0x10: {  	v12 =	vld [tilespmem:$0x360]  }
0x11: {  	v13 =	vld [tilespmem:$0x160]  }
0x12: {  	v14 =	vld [tilespmem:$0x350]  }
0x13: {  	v15 =	vld [tilespmem:$0x150]  }
0x14: {  	v16 =	vld [tilespmem:$0x3F0]  }
0x15: {  	v17 =	vld [tilespmem:$0x1F0]  }
0x16: {  	v18 =	vld [tilespmem:$0x3D0]  }
0x17: {  	v19 =	vld [tilespmem:$0x1D0]  }
0x18: {  	v20 =	vld [tilespmem:$0x3A0]  }
0x19: {  	v21 =	vld [tilespmem:$0x140]  }
0x1a: {  	v22 =	vld [tilespmem:$0x330]  }
0x1b: {  	v23 =	vld [tilespmem:$0x130]  }
0x1c: {  	v24 =	vld [tilespmem:$0x1A0]  }
0x1d: {  	v25 =	vld [tilespmem:$0x390]  }
0x1e: {  	v26 =	vld [tilespmem:$0x190]  }
0x1f: {  	v27 =	vld [tilespmem:$0x320]  }
0x20: {  	v28 =	vld [tilespmem:$0x340]  }
0x21: {  	v29 =	vld [tilespmem:$0x120]  }
0x22: {  	v30 =	vld [tilespmem:$0x400]  }
0x23: {  	v31 =	vld [tilespmem:$0x310]  }
0x24: {  	v32 =	vld [tilespmem:$0x110]  }
0x25: {  	v33 =	vld [tilespmem:$0x300]  }
0x26: {  	v34 =	vld [tilespmem:$0x100]  }
0x27: {  	v35 =	vld [tilespmem:$0x2F0]  }
0x28: {  	v36 =	vld [tilespmem:$0xF0]  }
0x29: {  	v37 =	vld [tilespmem:$0x2E0]  }
0x2a: {  	v44 =	vld [tilespmem:$0xE0];
	v18 =	vadd.f32 v18, v19;
	v19 =	vadd.f32 $0.0e+00, v30  }
0x2b: {  	v45 =	vld [tilespmem:$0x2D0];
	v25 =	vadd.f32 v25, v26  }
0x2c: {  	v46 =	vld [tilespmem:$0xD0];
	v20 =	vadd.f32 v20, v24;
	v18 =	vadd.f32 v18, v19  }
0x2d: {  	v50 =	vld [tilespmem:$0x2B0];
	v22 =	vadd.f32 v22, v23;
	v47 =	vadd.f32 v25, v19  }
0x2e: {  	v51 =	vld [tilespmem:$0xB0];
	v12 =	vadd.f32 v12, v13;
	v48 =	vadd.f32 v20, v19;
	[tilespmem:$0x650] =	vst v18  }
0x2f: {  	v52 =	vld [tilespmem:$0x2A0];
	v14 =	vadd.f32 v14, v15;
	v49 =	vadd.f32 v22, v19;
	[tilespmem:$0x610] =	vst v47  }
0x30: {  	v54 =	vld [tilespmem:$0xA0];
	v10 =	vadd.f32 v10, v11;
	v12 =	vadd.f32 v12, v19;
	[tilespmem:$0x620] =	vst v48  }
0x31: {  	v56 =	vld [tilespmem:$0x290];
	v16 =	vadd.f32 v16, v17;
	v14 =	vadd.f32 v14, v19;
	[tilespmem:$0x5B0] =	vst v49  }
0x32: {  	v58 =	vld [tilespmem:$0x90];
	v53 =	vadd.f32 v27, v29;
	v10 =	vadd.f32 v10, v19;
	[tilespmem:$0x5E0] =	vst v12  }
0x33: {  	v60 =	vld [tilespmem:$0x280];
	v55 =	vadd.f32 v28, v21;
	v16 =	vadd.f32 v16, v19;
	[tilespmem:$0x5D0] =	vst v14  }
0x34: {  	v61 =	vld [tilespmem:$0x80];
	v6 =	vadd.f32 v6, v7;
	v57 =	vadd.f32 v53, v19;
	[tilespmem:$0x640] =	vst v10  }
0x35: {  	v63 =	vld [tilespmem:$0x270];
	v8 =	vadd.f32 v8, v9;
	v59 =	vadd.f32 v55, v19;
	[tilespmem:$0x670] =	vst v16  }
0x36: {  	v38 =	vld [tilespmem:$0x50];
	v2 =	vadd.f32 v2, v3;
	v6 =	vadd.f32 v6, v19;
	[tilespmem:$0x5A0] =	vst v57  }
0x37: {  	v41 =	vld [tilespmem:$0x240];
	v4 =	vadd.f32 v4, v5;
	v62 =	vadd.f32 v8, v19;
	[tilespmem:$0x5C0] =	vst v59  }
0x38: {  	v13 =	vld [tilespmem:$0xC0];
	v23 =	vadd.f32 v31, v32;
	v2 =	vadd.f32 v2, v19;
	[tilespmem:$0x630] =	vst v6  }
0x39: {  	v27 =	vld [tilespmem:$0x70];
	v28 =	vadd.f32 v33, v34;
	v4 =	vadd.f32 v4, v19;
	[tilespmem:$0x5F0] =	vst v62  }
0x3a: {  	v29 =	vld [tilespmem:$0x260];
	v31 =	vadd.f32 v35, v36;
	v8 =	vadd.f32 v23, v19;
	[tilespmem:$0x660] =	vst v2  }
0x3b: {  	v32 =	vld [tilespmem:$0x60];
	v34 =	vadd.f32 v37, v44;
	v33 =	vadd.f32 v28, v19;
	[tilespmem:$0x600] =	vst v4  }
0x3c: {  	v35 =	vld [tilespmem:$0x250];
	v37 =	vadd.f32 v45, v46;
	v36 =	vadd.f32 v31, v19;
	[tilespmem:$0x590] =	vst v8  }
0x3d: {  	v40 =	vadd.f32 v50, v51;
	v44 =	vld [tilespmem:$0x40];
	v39 =	vadd.f32 v34, v19;
	[tilespmem:$0x580] =	vst v33  }
0x3e: {  	v43 =	vadd.f32 v52, v54;
	v50 =	vld [tilespmem:$0x220];
	v42 =	vadd.f32 v37, v19;
	[tilespmem:$0x570] =	vst v36  }
0x3f: {  	v3 =	vadd.f32 v60, v61;
	v52 =	vld [tilespmem:$0x20];
	v45 =	vadd.f32 v40, v19;
	[tilespmem:$0x560] =	vst v39  }
0x40: {  	v46 =	vadd.f32 v56, v58;
	v58 =	vld [tilespmem:$0x0];
	v5 =	vadd.f32 v43, v19;
	[tilespmem:$0x550] =	vst v42  }
0x41: {  	v25 =	vld [tilespmem:$0x2C0];
	v3 =	vadd.f32 v3, v19;
	[tilespmem:$0x530] =	vst v45;
	v6 =	vadd.f32 v63, v27  }
0x42: {  	v55 =	vld [tilespmem:$0x210];
	v49 =	vadd.f32 v46, v19;
	[tilespmem:$0x520] =	vst v5;
	v51 =	vadd.f32 v29, v32  }
0x43: {  	v47 =	vld [tilespmem:$0x230];
	[tilespmem:$0x500] =	vst v3;
	v54 =	vadd.f32 v35, v38;
	v53 =	vadd.f32 v6, v19  }
0x44: {  	v48 =	vld [tilespmem:$0x30];
	v57 =	vadd.f32 v41, v44;
	[tilespmem:$0x510] =	vst v49;
	v56 =	vadd.f32 v51, v19  }
0x45: {  	s2 =	srdreg.scid;
	v62 =	vadd.f32 v50, v52;
	v59 =	vadd.f32 v54, v19;
	[tilespmem:$0x4F0] =	vst v53  }
0x46: {  	s4 =	sand.u32 $0x1, s2;
	v0 =	vadd.f32 v0, v58;
	v4 =	vadd.f32 v57, v19;
	[tilespmem:$0x4E0] =	vst v56  }
0x47: {  	s5 =	ssub.s32 $0x2, s4;
	v61 =	vadd.f32 v25, v13;
	v2 =	vadd.f32 v62, v19;
	[tilespmem:$0x4D0] =	vst v59  }
0x48: {  	s6 =	sshrl.u32 s5, $0x1;
	v1 =	vadd.f32 v55, v1;
	v0 =	vadd.f32 v0, v19;
	[tilespmem:$0x4C0] =	vst v4  }
0x49: {  	s5 =	ssub.s32 s5, s6;
	v60 =	vadd.f32 v47, v48;
	v63 =	vadd.f32 v61, v19;
	[tilespmem:$0x4A0] =	vst v2  }
0x4a: {  	s6 =	smax.u32 s5, $0x1;
	v1 =	vadd.f32 v1, v19;
	[tilespmem:$0x480] =	vst v0  }
0x4b: {  	s2 =	stileid.u32;
	s4 =	sshll.u32 s4, $0x6;
	p0 =	sne.s32 s6, $0x1;
	v6 =	vadd.f32 v60, v19;
	[tilespmem:$0x540] =	vst v63  }
.Ltmp0:
0x4c: {  	s31 =	sshll.u32 s2, $0x7;
	s3 =	sadd.s32 s3, s4;
	[tilespmem:$0x490] =	vst v1;
	(pc) =	sbr.rel @!p0 .LBB2_2-.Ltmp0, $4  }
0x4d: {  	s4 =	simm.s32 $0x1;
	s3 =	sadd.s32 s31, s3;
	s5 =	simm.s32 $0x480;
	[tilespmem:$0x4B0] =	vst v6  }
0x4e: {  	[hbm4b:s3+s1] =	stream.linear.scatter [tilespmem:s5], [sflag:$0x1], $0x200, $0x38;
	[tilespmem:$0x680] =	vst v63  }
0x4f: {  	_ =	swait.ge [sflag:s4], $0x200  }
0x50: {  	s6 =	sadd.s32 $0xFFFFFFFF, s6;
	[sflag:s4] =	ssyncset.done $0x0  }
.LBB2_1:
0x51: {  	p0 =	sne.s32 s6, $0x1;
	s6 =	sadd.s32 $0xFFFFFFFF, s6;
	[sflag:s4] =	ssyncadd.s32 $0xFFFFFE00  }
0x52: {  	v0 =	vld [tilespmem:$0x200]  }
0x53: {  	v1 =	vld [tilespmem:$0x10]  }
0x54: {  	v2 =	vld [tilespmem:$0x3E0]  }
0x55: {  	v3 =	vld [tilespmem:$0x1E0]  }
0x56: {  	v4 =	vld [tilespmem:$0x380]  }
0x57: {  	v5 =	vld [tilespmem:$0x180]  }
0x58: {  	v6 =	vld [tilespmem:$0x3B0]  }
0x59: {  	v7 =	vld [tilespmem:$0x1B0]  }
0x5a: {  	v8 =	vld [tilespmem:$0x370];
	v3 =	vadd.f32 v2, v3  }
0x5b: {  	v2 =	vld [tilespmem:$0x170]  }
0x5c: {  	v4 =	vadd.f32 v4, v5;
	v5 =	vld [tilespmem:$0x3C0]  }
0x5d: {  	v9 =	vld [tilespmem:$0x1C0]  }
0x5e: {  	v10 =	vld [tilespmem:$0x360]  }
0x5f: {  	v11 =	vld [tilespmem:$0x160]  }
0x60: {  	v12 =	vld [tilespmem:$0x350];
	v8 =	vadd.f32 v8, v2  }
0x61: {  	v2 =	vld [tilespmem:$0x150]  }
0x62: {  	v5 =	vadd.f32 v5, v9;
	v9 =	vld [tilespmem:$0x3F0]  }
0x63: {  	v13 =	vld [tilespmem:$0x1F0]  }
0x64: {  	v14 =	vld [tilespmem:$0x3D0]  }
0x65: {  	v15 =	vld [tilespmem:$0x1D0]  }
0x66: {  	v12 =	vadd.f32 v12, v2;
	v16 =	vld [tilespmem:$0x3A0]  }
0x67: {  	v17 =	vld [tilespmem:$0x140]  }
0x68: {  	v2 =	vld [tilespmem:$0x330];
	v9 =	vadd.f32 v9, v13  }
0x69: {  	v13 =	vld [tilespmem:$0x130]  }
0x6a: {  	v18 =	vld [tilespmem:$0x1A0];
	v14 =	vadd.f32 v14, v15  }
0x6b: {  	v15 =	vld [tilespmem:$0x390]  }
0x6c: {  	v19 =	vld [tilespmem:$0x190]  }
0x6d: {  	v20 =	vld [tilespmem:$0x320]  }
0x6e: {  	v21 =	vld [tilespmem:$0x340]  }
0x6f: {  	v22 =	vld [tilespmem:$0x120]  }
0x70: {  	v23 =	vld [tilespmem:$0x400]  }
0x71: {  	v24 =	vld [tilespmem:$0x310];
	v15 =	vadd.f32 v15, v19  }
0x72: {  	v19 =	vld [tilespmem:$0x110]  }
0x73: {  	v25 =	vld [tilespmem:$0x300]  }
0x74: {  	v26 =	vld [tilespmem:$0x100];
	v20 =	vadd.f32 v20, v22  }
0x75: {  	v6 =	vadd.f32 v6, v7;
	v22 =	vld [tilespmem:$0x2F0]  }
0x76: {  	v10 =	vadd.f32 v10, v11;
	v13 =	vadd.f32 v2, v13;
	v7 =	vld [tilespmem:$0xF0]  }
0x77: {  	v2 =	vadd.f32 $0.0e+00, v23;
	v11 =	vld [tilespmem:$0x2E0];
	v19 =	vadd.f32 v24, v19  }
0x78: {  	v16 =	vadd.f32 v16, v18;
	v17 =	vadd.f32 v21, v17;
	v23 =	vld [tilespmem:$0xE0]  }
0x79: {  	v13 =	vadd.f32 v13, v2;
	v18 =	vld [tilespmem:$0x2D0];
	v21 =	vadd.f32 v25, v26  }
0x7a: {  	v15 =	vadd.f32 v15, v2;
	v14 =	vadd.f32 v14, v2;
	v24 =	vld [tilespmem:$0xD0]  }
0x7b: {  	v25 =	vld [tilespmem:$0x2C0];
	v7 =	vadd.f32 v22, v7;
	v21 =	vadd.f32 v21, v2  }
0x7c: {  	v16 =	vadd.f32 v16, v2;
	v9 =	vadd.f32 v9, v2;
	v22 =	vld [tilespmem:$0xC0];
	[tilespmem:$0x650] =	vst v14  }
0x7d: {  	v14 =	vld [tilespmem:$0x2B0];
	v11 =	vadd.f32 v11, v23;
	v7 =	vadd.f32 v7, v2;
	[tilespmem:$0x610] =	vst v15  }
0x7e: {  	v12 =	vadd.f32 v12, v2;
	v10 =	vadd.f32 v10, v2;
	v15 =	vld [tilespmem:$0xB0];
	[tilespmem:$0x620] =	vst v16  }
0x7f: {  	v16 =	vld [tilespmem:$0x2A0];
	v18 =	vadd.f32 v18, v24;
	v11 =	vadd.f32 v11, v2;
	[tilespmem:$0x5B0] =	vst v13  }
0x80: {  	v20 =	vadd.f32 v20, v2;
	v5 =	vadd.f32 v5, v2;
	v13 =	vld [tilespmem:$0xA0];
	[tilespmem:$0x5E0] =	vst v10  }
0x81: {  	v10 =	vld [tilespmem:$0x290];
	v22 =	vadd.f32 v25, v22;
	v18 =	vadd.f32 v18, v2;
	[tilespmem:$0x5D0] =	vst v12  }
0x82: {  	v17 =	vadd.f32 v17, v2;
	v19 =	vadd.f32 v19, v2;
	v12 =	vld [tilespmem:$0x90];
	[tilespmem:$0x640] =	vst v5  }
0x83: {  	v5 =	vld [tilespmem:$0x280];
	v14 =	vadd.f32 v14, v15;
	v15 =	vadd.f32 v22, v2;
	[tilespmem:$0x670] =	vst v9  }
0x84: {  	v8 =	vadd.f32 v8, v2;
	v6 =	vadd.f32 v6, v2;
	v9 =	vld [tilespmem:$0x80];
	[tilespmem:$0x5A0] =	vst v20  }
0x85: {  	v20 =	vld [tilespmem:$0x270];
	v13 =	vadd.f32 v16, v13;
	v14 =	vadd.f32 v14, v2;
	[tilespmem:$0x5C0] =	vst v17  }
0x86: {  	v4 =	vadd.f32 v4, v2;
	v3 =	vadd.f32 v3, v2;
	v16 =	vld [tilespmem:$0x70];
	[tilespmem:$0x630] =	vst v6  }
0x87: {  	v6 =	vld [tilespmem:$0x260];
	v10 =	vadd.f32 v10, v12;
	v12 =	vadd.f32 v13, v2;
	[tilespmem:$0x5F0] =	vst v8  }
0x88: {  	v8 =	vld [tilespmem:$0x60];
	[tilespmem:$0x660] =	vst v3  }
0x89: {  	v3 =	vld [tilespmem:$0x250];
	v5 =	vadd.f32 v5, v9;
	v9 =	vadd.f32 v10, v2;
	[tilespmem:$0x600] =	vst v4  }
0x8a: {  	v4 =	vld [tilespmem:$0x50];
	[tilespmem:$0x590] =	vst v19  }
0x8b: {  	v10 =	vld [tilespmem:$0x240];
	v13 =	vadd.f32 v20, v16;
	v5 =	vadd.f32 v5, v2;
	[tilespmem:$0x580] =	vst v21  }
0x8c: {  	v16 =	vld [tilespmem:$0x40];
	[tilespmem:$0x570] =	vst v7  }
0x8d: {  	v7 =	vld [tilespmem:$0x230];
	v6 =	vadd.f32 v6, v8;
	v8 =	vadd.f32 v13, v2;
	[tilespmem:$0x560] =	vst v11  }
0x8e: {  	v11 =	vld [tilespmem:$0x30];
	[tilespmem:$0x550] =	vst v18  }
0x8f: {  	v13 =	vld [tilespmem:$0x220];
	v3 =	vadd.f32 v3, v4;
	v4 =	vadd.f32 v6, v2;
	[tilespmem:$0x530] =	vst v14  }
0x90: {  	v6 =	vld [tilespmem:$0x20];
	[tilespmem:$0x520] =	vst v12  }
0x91: {  	v12 =	vld [tilespmem:$0x210];
	v10 =	vadd.f32 v10, v16;
	v3 =	vadd.f32 v3, v2;
	[tilespmem:$0x510] =	vst v9  }
0x92: {  	v9 =	vld [tilespmem:$0x0];
	[tilespmem:$0x500] =	vst v5  }
0x93: {  	v5 =	vadd.f32 v7, v11;
	v7 =	vadd.f32 v10, v2;
	[tilespmem:$0x4F0] =	vst v8  }
0x94: {  	[tilespmem:$0x4E0] =	vst v4  }
0x95: {  	v4 =	vadd.f32 v13, v6;
	v5 =	vadd.f32 v5, v2;
	[tilespmem:$0x4D0] =	vst v3  }
0x96: {  	v1 =	vadd.f32 v12, v1;
	[tilespmem:$0x4C0] =	vst v7  }
0x97: {  	v0 =	vadd.f32 v0, v9;
	v3 =	vadd.f32 v4, v2;
	[tilespmem:$0x4B0] =	vst v5  }
0x98: {  	v1 =	vadd.f32 v1, v2;
	[tilespmem:$0x540] =	vst v15  }
0x99: {  	v0 =	vadd.f32 v0, v2;
	[tilespmem:$0x4A0] =	vst v3  }
.Ltmp1:
0x9a: {  	[tilespmem:$0x490] =	vst v1;
	(pc) =	sbr.rel @p0 .LBB2_1-.Ltmp1, $4  }
0x9b: {  	[tilespmem:$0x480] =	vst v0  }
0x9c: {  	[hbm4b:s3+s1] =	stream.linear.scatter [tilespmem:s5], [sflag:$0x1], $0x200, $0x38;
	[tilespmem:$0x680] =	vst v63  }
0x9d: {  	_ =	swait.ge [sflag:s4], $0x200  }
0x9e: {  	[sflag:s4] =	ssyncset.done $0x0  }
.LBB2_2:
0x9f: {  	[sflag:s4] =	ssyncadd.s32 $0xFFFFFE00  }
0xa0: {  	_ =	sfence.sel $0x180000  }
0xa1: {  	[bflag:$0x0] =	sbarrier.arrive $0xFFFF  }
0xa2: {  	p0 =	sne.s32 s2, $0x0;
	_ =	strace $0x90000047  }
0xa3: {  	s0 =	sadd.s32 @!p0 $0x100000, s0;
	[bflag:$0x2] =	sbarrier.arrive $0xFFFF  }
0xa4: {  	[sflag:s0] =	ssyncadd.tile.s32 @!p0 $0x1;
	_ =	shalt  }
.Lfunc_end2:
_tile_overlayer_lowered:
.L_overlay_start_2:
0xa5: {  	(tag) =	ssettag $0x2  }
0xa6: {  	s0 =	rddreg [dreg:$0x0];
	s2 =	stileid.u32  }
0xa7: {  	s1 =	rddreg [dreg:$0x1];
	p0 =	sne.s32 s2, $0x0  }
0xa8: {  	s3 =	rddreg [dreg:$0x2];
	[bflag:$0x3] =	sbarrier.arrive $0xFFFF;
	s2 =	simm.s32 @!p0 $0x1C01  }
0xa9: {  	[timem:s3], [sflag:s2] =	dma.local @!p0 [hbm:s0], s1  }
0xaa: {  	s0 =	simm.s32 @!p0 $0x1  }
0xab: {  	_ =	swait.ge @!p0 [sflag:s0], s1  }
0xac: {  	s1 =	ssub.s32 @!p0 $0x0, s1;
	[sflag:s0] =	ssyncset.done @!p0 $0x0  }
0xad: {  	[sflag:s0] =	ssyncadd.s32 @!p0 s1  }
0xae: {  	[bflag:$0x3] =	sbarrier.arrive $0xFFFF  }
0xaf: {  	_ =	shalt  }

</sc_bundles>
